<compile_context>
chip_gen: v7x
topology: tpu7x:2x2x1
jax: 0.10.2.dev20260603
libtpu: 0.0.44.dev20260713+nightly
codegen_flags: <defaults>
</compile_context>

<pallas_src>
import jax
import jax.numpy as jnp
from jax import lax
from jax.experimental import pallas as pl
from jax.experimental.pallas import tpu as pltpu
from jax.experimental.pallas import tpu_sc as plsc
from jax.experimental.layout import Layout, with_layout_constraint

NUM_CORES = 2
NUM_SUBCORES = 16
NUM_WORKERS = NUM_CORES * NUM_SUBCORES
G = 128
NBUF = 4
EMB = 64
PADDED = 128
SUBPAD = 56


def _body(idx_hbm, drow_hbm, table_hbm, out_hbm, idx_v, drow_v, rows, gsems, wsems):
    c = lax.axis_index("c")
    s = lax.axis_index("s")
    wid = s * NUM_CORES + c
    n_grp = idx_hbm.shape[0] // NUM_WORKERS
    base = wid * n_grp
    pltpu.sync_copy(idx_hbm.at[pl.ds(base, n_grp)], idx_v)
    pltpu.sync_copy(drow_hbm.at[pl.ds(base, n_grp)], drow_v)

    def fire_gather(j, b):
        pltpu.async_copy(table_hbm.at[idx_v.at[j]], rows[b], gsems[b])

    def fire_write(j, b):
        pltpu.async_copy(rows[b], out_hbm.at[drow_v.at[j]], wsems[b])

    def wait_g(b):
        pltpu.make_async_copy(table_hbm.at[pl.ds(0, G)], rows[b], gsems[b]).wait()

    def wait_w(b):
        pltpu.make_async_copy(rows[b], out_hbm.at[pl.ds(0, G)], wsems[b]).wait()

    for j in range(NBUF):
        fire_gather(j, j % NBUF)
        if j >= NBUF - 1:
            jj = j - (NBUF - 1)
            wait_g(jj % NBUF)
            fire_write(jj, jj % NBUF)

    def round_body(r, carry):
        j0 = NBUF + r * NBUF
        for b in range(NBUF):
            j = j0 + b
            wait_w(b)
            fire_gather(j, b)
            bb = (b + 1) % NBUF
            wait_g(bb)
            fire_write(j - (NBUF - 1), bb)
        return carry

    n_rounds = (n_grp - NBUF) // NBUF
    lax.fori_loop(0, n_rounds, round_body, 0)

    for j in range(n_grp, n_grp + NBUF - 1):
        jj = j - (NBUF - 1)
        wait_g(jj % NBUF)
        fire_write(jj, jj % NBUF)
    for b in range(NBUF):
        wait_w(b)


@jax.jit
def kernel(token_ids, weights):
    B, S = token_ids.shape
    n = B * S
    n_grp_total = n // G
    idx = token_ids.reshape(n_grp_total, G).astype(jnp.int32)
    e = jnp.arange(n, dtype=jnp.int32)
    drow = ((e // S) * SUBPAD + e % S).reshape(n_grp_total, G)
    wpad = jnp.pad(weights, ((0, 0), (0, PADDED - EMB)))
    mesh = plsc.VectorSubcoreMesh(core_axis_name="c", subcore_axis_name="s")
    n_grp = n_grp_total // NUM_WORKERS
    out = pl.kernel(
        _body,
        out_type=jax.ShapeDtypeStruct((B * SUBPAD, PADDED), jnp.float32),
        mesh=mesh,
        scratch_types=[
            pltpu.VMEM((n_grp, G), jnp.int32),
            pltpu.VMEM((n_grp, G), jnp.int32),
            [pltpu.VMEM((G, PADDED), jnp.float32) for _ in range(NBUF)],
            [pltpu.SemaphoreType.DMA for _ in range(NBUF)],
            [pltpu.SemaphoreType.DMA for _ in range(NBUF)],
        ],
    )(idx, drow, wpad)
    out3 = out.reshape(B, SUBPAD, PADDED)[:, :S, :EMB]
    return with_layout_constraint(out3, Layout(major_to_minor=(0, 1, 2)))

# --- scband reference (transcript-rebuilt; emitter-appended) ---
"""Pipeline reference for scband-embedding-14018773254156 (READ-ONLY COPY).

The authoritative reference and input builder live on the scoring server;
editing this copy changes nothing except your own understanding.
"""

import jax, jax.numpy as jnp
import numpy as np

NUM_EMBEDDINGS = 1000000
EMBEDDING_DIM = 64

def setup_inputs(seed: int = 0) -> dict:
    key = jax.random.key(seed)
    k_idx, k_w = jax.random.split(key)
    token_ids = jax.random.randint(k_idx, (16384, 50), 0, NUM_EMBEDDINGS, dtype=jnp.int64 if jax.config.jax_enable_x64 else jnp.int32)
    std = np.sqrt(2.0 / (NUM_EMBEDDINGS + EMBEDDING_DIM))
    # truncated normal in [-3*std, 3*std] with given std
    weights = jax.random.truncated_normal(k_w, -3.0, 3.0, (NUM_EMBEDDINGS, EMBEDDING_DIM), dtype=jnp.float32) * std
    return {"token_ids": token_ids, "weights": weights}

def reference(token_ids, weights):
    # Faithful translation of Embedding.forward: self.weights[token_ids]
    return jnp.take(weights, token_ids, axis=0)

if __name__ == "__main__":
    import jax
    _d = setup_inputs()
    print(jax.jit(kernel)(*tuple(_d.values())))

</pallas_src>

<mosaic_0001>
#map = affine_map<(d0, d1) -> (0, 0)>
module attributes {stable_mosaic.version = 14 : i64} {
  func.func @_body(%arg0: i32, %arg1: i32, %arg2: memref<6400x128xi32, #tpu.memory_space<hbm>>, %arg3: memref<6400x128xi32, #tpu.memory_space<hbm>>, %arg4: memref<1000000x128xf32, #tpu.memory_space<hbm>>, %arg5: memref<917504x128xf32, #tpu.memory_space<hbm>>, %arg6: memref<200x128xi32, #tpu.memory_space<vmem>>, %arg7: memref<200x128xi32, #tpu.memory_space<vmem>>, %arg8: memref<128x128xf32, #tpu.memory_space<vmem>>, %arg9: memref<128x128xf32, #tpu.memory_space<vmem>>, %arg10: memref<128x128xf32, #tpu.memory_space<vmem>>, %arg11: memref<128x128xf32, #tpu.memory_space<vmem>>, %arg12: memref<!tpu.dma_semaphore, #tpu.memory_space<semaphore_mem>>, %arg13: memref<!tpu.dma_semaphore, #tpu.memory_space<semaphore_mem>>, %arg14: memref<!tpu.dma_semaphore, #tpu.memory_space<semaphore_mem>>, %arg15: memref<!tpu.dma_semaphore, #tpu.memory_space<semaphore_mem>>, %arg16: memref<!tpu.dma_semaphore, #tpu.memory_space<semaphore_mem>>, %arg17: memref<!tpu.dma_semaphore, #tpu.memory_space<semaphore_mem>>, %arg18: memref<!tpu.dma_semaphore, #tpu.memory_space<semaphore_mem>>, %arg19: memref<!tpu.dma_semaphore, #tpu.memory_space<semaphore_mem>>) attributes {dimension_semantics = [#tpu.dimension_semantics<core_parallel>, #tpu.dimension_semantics<subcore_parallel>], iteration_bounds = array<i64: 2, 16>, scalar_prefetch = 0 : i64, scratch_operands = 14 : i64, tpu.core_type = #tpu.core_type<sc_vector_subcore>, window_params = [{transform_indices = #map}, {transform_indices = #map}, {transform_indices = #map}, {transform_indices = #map}]} {
    %mul3A = arith.constant 2 : i32
    %mul3A_0 = arith.muli %arg1, %mul3A : i32
    %add3A = arith.addi %mul3A_0, %arg0 : i32
    %mul3A_1 = arith.constant 200 : i32
    %mul3A_2 = arith.muli %add3A, %mul3A_1 : i32
    "tpu.region"() ({
      %run_scoped3A = tpu.sem_alloc : memref<!tpu.dma_semaphore, #tpu.memory_space<semaphore_mem>>
      %dma_start3A_110 = arith.constant 0 : i32
      %dma_start3A_111 = tpu.memref_slice %arg2[%mul3A_2, %dma_start3A_110] : memref<6400x128xi32, #tpu.memory_space<hbm>> -> memref<200x128xi32, #tpu.memory_space<hbm>>
      %dma_start3A_112 = arith.constant 0 : i32
      %dma_start3A_113 = tpu.memref_slice %arg2[%mul3A_2, %dma_start3A_112] : memref<6400x128xi32, #tpu.memory_space<hbm>> -> memref<200x128xi32, #tpu.memory_space<hbm>>
      tpu.enqueue_dma source(%dma_start3A_113 : memref<200x128xi32, #tpu.memory_space<hbm>>) target(%arg6 : memref<200x128xi32, #tpu.memory_space<vmem>>) target_semaphore(%run_scoped3A : memref<!tpu.dma_semaphore, #tpu.memory_space<semaphore_mem>>)
      %dma_wait3A_114 = arith.constant 0 : i32
      %dma_wait3A_115 = tpu.memref_slice %arg2[%mul3A_2, %dma_wait3A_114] : memref<6400x128xi32, #tpu.memory_space<hbm>> -> memref<200x128xi32, #tpu.memory_space<hbm>>
      %dma_wait3A_116 = arith.constant 0 : i32
      %dma_wait3A_117 = tpu.memref_slice %arg2[%mul3A_2, %dma_wait3A_116] : memref<6400x128xi32, #tpu.memory_space<hbm>> -> memref<200x128xi32, #tpu.memory_space<hbm>>
      tpu.wait_dma2 semaphore(%run_scoped3A : memref<!tpu.dma_semaphore, #tpu.memory_space<semaphore_mem>>) src(%dma_wait3A_117 : memref<200x128xi32, #tpu.memory_space<hbm>>) dst(%arg6 : memref<200x128xi32, #tpu.memory_space<vmem>>)
      tpu.yield
    }) : () -> ()
    "tpu.region"() ({
      %run_scoped3A = tpu.sem_alloc : memref<!tpu.dma_semaphore, #tpu.memory_space<semaphore_mem>>
      %dma_start3A_110 = arith.constant 0 : i32
      %dma_start3A_111 = tpu.memref_slice %arg3[%mul3A_2, %dma_start3A_110] : memref<6400x128xi32, #tpu.memory_space<hbm>> -> memref<200x128xi32, #tpu.memory_space<hbm>>
      %dma_start3A_112 = arith.constant 0 : i32
      %dma_start3A_113 = tpu.memref_slice %arg3[%mul3A_2, %dma_start3A_112] : memref<6400x128xi32, #tpu.memory_space<hbm>> -> memref<200x128xi32, #tpu.memory_space<hbm>>
      tpu.enqueue_dma source(%dma_start3A_113 : memref<200x128xi32, #tpu.memory_space<hbm>>) target(%arg7 : memref<200x128xi32, #tpu.memory_space<vmem>>) target_semaphore(%run_scoped3A : memref<!tpu.dma_semaphore, #tpu.memory_space<semaphore_mem>>)
      %dma_wait3A_114 = arith.constant 0 : i32
      %dma_wait3A_115 = tpu.memref_slice %arg3[%mul3A_2, %dma_wait3A_114] : memref<6400x128xi32, #tpu.memory_space<hbm>> -> memref<200x128xi32, #tpu.memory_space<hbm>>
      %dma_wait3A_116 = arith.constant 0 : i32
      %dma_wait3A_117 = tpu.memref_slice %arg3[%mul3A_2, %dma_wait3A_116] : memref<6400x128xi32, #tpu.memory_space<hbm>> -> memref<200x128xi32, #tpu.memory_space<hbm>>
      tpu.wait_dma2 semaphore(%run_scoped3A : memref<!tpu.dma_semaphore, #tpu.memory_space<semaphore_mem>>) src(%dma_wait3A_117 : memref<200x128xi32, #tpu.memory_space<hbm>>) dst(%arg7 : memref<200x128xi32, #tpu.memory_space<vmem>>)
      tpu.yield
    }) : () -> ()
    %dma_start3A = arith.constant 0 : i32
    %dma_start3A_3 = arith.constant 0 : i32
    %dma_start3A_4 = tpu.memref_slice %arg6[%dma_start3A, %dma_start3A_3] : memref<200x128xi32, #tpu.memory_space<vmem>> -> memref<1x128xi32, #tpu.memory_space<vmem>>
    %dma_start3A_5 = tpu.memref_squeeze %dma_start3A_4 : memref<1x128xi32, #tpu.memory_space<vmem>> -> memref<128xi32, #tpu.memory_space<vmem>>
    %dma_start3A_6 = arith.constant 0 : i32
    %dma_start3A_7 = arith.constant 0 : i32
    %dma_start3A_8 = tpu.memref_slice %arg4[%dma_start3A_6, %dma_start3A_7] : memref<1000000x128xf32, #tpu.memory_space<hbm>> -> memref<1000000x128xf32, #tpu.memory_space<hbm>>
    tpu.enqueue_indirect_dma source(%dma_start3A_8 : memref<1000000x128xf32, #tpu.memory_space<hbm>>) target(%arg8 : memref<128x128xf32, #tpu.memory_space<vmem>>) offsets(%dma_start3A_5 : memref<128xi32, #tpu.memory_space<vmem>>) semaphore(%arg12 : memref<!tpu.dma_semaphore, #tpu.memory_space<semaphore_mem>>)
    %dma_start3A_9 = arith.constant 1 : i32
    %dma_start3A_10 = arith.constant 0 : i32
    %dma_start3A_11 = tpu.memref_slice %arg6[%dma_start3A_9, %dma_start3A_10] : memref<200x128xi32, #tpu.memory_space<vmem>> -> memref<1x128xi32, #tpu.memory_space<vmem>>
    %dma_start3A_12 = tpu.memref_squeeze %dma_start3A_11 : memref<1x128xi32, #tpu.memory_space<vmem>> -> memref<128xi32, #tpu.memory_space<vmem>>
    %dma_start3A_13 = arith.constant 0 : i32
    %dma_start3A_14 = arith.constant 0 : i32
    %dma_start3A_15 = tpu.memref_slice %arg4[%dma_start3A_13, %dma_start3A_14] : memref<1000000x128xf32, #tpu.memory_space<hbm>> -> memref<1000000x128xf32, #tpu.memory_space<hbm>>
    tpu.enqueue_indirect_dma source(%dma_start3A_15 : memref<1000000x128xf32, #tpu.memory_space<hbm>>) target(%arg9 : memref<128x128xf32, #tpu.memory_space<vmem>>) offsets(%dma_start3A_12 : memref<128xi32, #tpu.memory_space<vmem>>) semaphore(%arg13 : memref<!tpu.dma_semaphore, #tpu.memory_space<semaphore_mem>>)
    %dma_start3A_16 = arith.constant 2 : i32
    %dma_start3A_17 = arith.constant 0 : i32
    %dma_start3A_18 = tpu.memref_slice %arg6[%dma_start3A_16, %dma_start3A_17] : memref<200x128xi32, #tpu.memory_space<vmem>> -> memref<1x128xi32, #tpu.memory_space<vmem>>
    %dma_start3A_19 = tpu.memref_squeeze %dma_start3A_18 : memref<1x128xi32, #tpu.memory_space<vmem>> -> memref<128xi32, #tpu.memory_space<vmem>>
    %dma_start3A_20 = arith.constant 0 : i32
    %dma_start3A_21 = arith.constant 0 : i32
    %dma_start3A_22 = tpu.memref_slice %arg4[%dma_start3A_20, %dma_start3A_21] : memref<1000000x128xf32, #tpu.memory_space<hbm>> -> memref<1000000x128xf32, #tpu.memory_space<hbm>>
    tpu.enqueue_indirect_dma source(%dma_start3A_22 : memref<1000000x128xf32, #tpu.memory_space<hbm>>) target(%arg10 : memref<128x128xf32, #tpu.memory_space<vmem>>) offsets(%dma_start3A_19 : memref<128xi32, #tpu.memory_space<vmem>>) semaphore(%arg14 : memref<!tpu.dma_semaphore, #tpu.memory_space<semaphore_mem>>)
    %dma_start3A_23 = arith.constant 3 : i32
    %dma_start3A_24 = arith.constant 0 : i32
    %dma_start3A_25 = tpu.memref_slice %arg6[%dma_start3A_23, %dma_start3A_24] : memref<200x128xi32, #tpu.memory_space<vmem>> -> memref<1x128xi32, #tpu.memory_space<vmem>>
    %dma_start3A_26 = tpu.memref_squeeze %dma_start3A_25 : memref<1x128xi32, #tpu.memory_space<vmem>> -> memref<128xi32, #tpu.memory_space<vmem>>
    %dma_start3A_27 = arith.constant 0 : i32
    %dma_start3A_28 = arith.constant 0 : i32
    %dma_start3A_29 = tpu.memref_slice %arg4[%dma_start3A_27, %dma_start3A_28] : memref<1000000x128xf32, #tpu.memory_space<hbm>> -> memref<1000000x128xf32, #tpu.memory_space<hbm>>
    tpu.enqueue_indirect_dma source(%dma_start3A_29 : memref<1000000x128xf32, #tpu.memory_space<hbm>>) target(%arg11 : memref<128x128xf32, #tpu.memory_space<vmem>>) offsets(%dma_start3A_26 : memref<128xi32, #tpu.memory_space<vmem>>) semaphore(%arg15 : memref<!tpu.dma_semaphore, #tpu.memory_space<semaphore_mem>>)
    %dma_wait3A = arith.constant 0 : i32
    %dma_wait3A_30 = arith.constant 0 : i32
    %dma_wait3A_31 = tpu.memref_slice %arg4[%dma_wait3A, %dma_wait3A_30] : memref<1000000x128xf32, #tpu.memory_space<hbm>> -> memref<128x128xf32, #tpu.memory_space<hbm>>
    %dma_wait3A_32 = arith.constant 0 : i32
    %dma_wait3A_33 = arith.constant 0 : i32
    %dma_wait3A_34 = tpu.memref_slice %arg4[%dma_wait3A_32, %dma_wait3A_33] : memref<1000000x128xf32, #tpu.memory_space<hbm>> -> memref<128x128xf32, #tpu.memory_space<hbm>>
    tpu.wait_dma2 semaphore(%arg12 : memref<!tpu.dma_semaphore, #tpu.memory_space<semaphore_mem>>) src(%dma_wait3A_34 : memref<128x128xf32, #tpu.memory_space<hbm>>) dst(%arg8 : memref<128x128xf32, #tpu.memory_space<vmem>>)
    %dma_start3A_35 = arith.constant 0 : i32
    %dma_start3A_36 = arith.constant 0 : i32
    %dma_start3A_37 = tpu.memref_slice %arg7[%dma_start3A_35, %dma_start3A_36] : memref<200x128xi32, #tpu.memory_space<vmem>> -> memref<1x128xi32, #tpu.memory_space<vmem>>
    %dma_start3A_38 = tpu.memref_squeeze %dma_start3A_37 : memref<1x128xi32, #tpu.memory_space<vmem>> -> memref<128xi32, #tpu.memory_space<vmem>>
    %dma_start3A_39 = arith.constant 0 : i32
    %dma_start3A_40 = arith.constant 0 : i32
    %dma_start3A_41 = tpu.memref_slice %arg5[%dma_start3A_39, %dma_start3A_40] : memref<917504x128xf32, #tpu.memory_space<hbm>> -> memref<917504x128xf32, #tpu.memory_space<hbm>>
    tpu.enqueue_indirect_dma source(%arg8 : memref<128x128xf32, #tpu.memory_space<vmem>>) target(%dma_start3A_41 : memref<917504x128xf32, #tpu.memory_space<hbm>>) offsets(%dma_start3A_38 : memref<128xi32, #tpu.memory_space<vmem>>) semaphore(%arg16 : memref<!tpu.dma_semaphore, #tpu.memory_space<semaphore_mem>>)
    %scan3A = arith.constant 0 : i32
    %scan3A_42 = arith.constant 0 : i32
    %scan3A_43 = arith.constant 49 : i32
    %scan3A_44 = arith.addi %scan3A_42, %scan3A_43 : i32
    %scan3A_45 = arith.constant 1 : i32
    scf.for %scan3A_110 = %scan3A_42 to %scan3A_44 step %scan3A_45  : i32 {
      %mul3A_111 = arith.constant 4 : i32
      %mul3A_112 = arith.muli %scan3A_110, %mul3A_111 : i32
      %add3A_113 = arith.constant 4 : i32
      %add3A_114 = arith.addi %add3A_113, %mul3A_112 : i32
      %add3A_115 = arith.constant 0 : i32
      %add3A_116 = arith.addi %add3A_114, %add3A_115 : i32
      %dma_wait3A_117 = arith.constant 0 : i32
      %dma_wait3A_118 = arith.constant 0 : i32
      %dma_wait3A_119 = tpu.memref_slice %arg5[%dma_wait3A_117, %dma_wait3A_118] : memref<917504x128xf32, #tpu.memory_space<hbm>> -> memref<128x128xf32, #tpu.memory_space<hbm>>
      %dma_wait3A_120 = arith.constant 0 : i32
      %dma_wait3A_121 = arith.constant 0 : i32
      %dma_wait3A_122 = tpu.memref_slice %arg5[%dma_wait3A_120, %dma_wait3A_121] : memref<917504x128xf32, #tpu.memory_space<hbm>> -> memref<128x128xf32, #tpu.memory_space<hbm>>
      tpu.wait_dma2 semaphore(%arg16 : memref<!tpu.dma_semaphore, #tpu.memory_space<semaphore_mem>>) src(%arg8 : memref<128x128xf32, #tpu.memory_space<vmem>>) dst(%dma_wait3A_122 : memref<128x128xf32, #tpu.memory_space<hbm>>)
      %dma_start3A_123 = arith.constant 0 : i32
      %dma_start3A_124 = tpu.memref_slice %arg6[%add3A_116, %dma_start3A_123] : memref<200x128xi32, #tpu.memory_space<vmem>> -> memref<1x128xi32, #tpu.memory_space<vmem>>
      %dma_start3A_125 = tpu.memref_squeeze %dma_start3A_124 : memref<1x128xi32, #tpu.memory_space<vmem>> -> memref<128xi32, #tpu.memory_space<vmem>>
      %dma_start3A_126 = arith.constant 0 : i32
      %dma_start3A_127 = arith.constant 0 : i32
      %dma_start3A_128 = tpu.memref_slice %arg4[%dma_start3A_126, %dma_start3A_127] : memref<1000000x128xf32, #tpu.memory_space<hbm>> -> memref<1000000x128xf32, #tpu.memory_space<hbm>>
      tpu.enqueue_indirect_dma source(%dma_start3A_128 : memref<1000000x128xf32, #tpu.memory_space<hbm>>) target(%arg8 : memref<128x128xf32, #tpu.memory_space<vmem>>) offsets(%dma_start3A_125 : memref<128xi32, #tpu.memory_space<vmem>>) semaphore(%arg12 : memref<!tpu.dma_semaphore, #tpu.memory_space<semaphore_mem>>)
      %dma_wait3A_129 = arith.constant 0 : i32
      %dma_wait3A_130 = arith.constant 0 : i32
      %dma_wait3A_131 = tpu.memref_slice %arg4[%dma_wait3A_129, %dma_wait3A_130] : memref<1000000x128xf32, #tpu.memory_space<hbm>> -> memref<128x128xf32, #tpu.memory_space<hbm>>
      %dma_wait3A_132 = arith.constant 0 : i32
      %dma_wait3A_133 = arith.constant 0 : i32
      %dma_wait3A_134 = tpu.memref_slice %arg4[%dma_wait3A_132, %dma_wait3A_133] : memref<1000000x128xf32, #tpu.memory_space<hbm>> -> memref<128x128xf32, #tpu.memory_space<hbm>>
      tpu.wait_dma2 semaphore(%arg13 : memref<!tpu.dma_semaphore, #tpu.memory_space<semaphore_mem>>) src(%dma_wait3A_134 : memref<128x128xf32, #tpu.memory_space<hbm>>) dst(%arg9 : memref<128x128xf32, #tpu.memory_space<vmem>>)
      %sub3A = arith.constant 3 : i32
      %sub3A_135 = arith.subi %add3A_116, %sub3A : i32
      %dma_start3A_136 = arith.constant 0 : i32
      %dma_start3A_137 = tpu.memref_slice %arg7[%sub3A_135, %dma_start3A_136] : memref<200x128xi32, #tpu.memory_space<vmem>> -> memref<1x128xi32, #tpu.memory_space<vmem>>
      %dma_start3A_138 = tpu.memref_squeeze %dma_start3A_137 : memref<1x128xi32, #tpu.memory_space<vmem>> -> memref<128xi32, #tpu.memory_space<vmem>>
      %dma_start3A_139 = arith.constant 0 : i32
      %dma_start3A_140 = arith.constant 0 : i32
      %dma_start3A_141 = tpu.memref_slice %arg5[%dma_start3A_139, %dma_start3A_140] : memref<917504x128xf32, #tpu.memory_space<hbm>> -> memref<917504x128xf32, #tpu.memory_space<hbm>>
      tpu.enqueue_indirect_dma source(%arg9 : memref<128x128xf32, #tpu.memory_space<vmem>>) target(%dma_start3A_141 : memref<917504x128xf32, #tpu.memory_space<hbm>>) offsets(%dma_start3A_138 : memref<128xi32, #tpu.memory_space<vmem>>) semaphore(%arg17 : memref<!tpu.dma_semaphore, #tpu.memory_space<semaphore_mem>>)
      %add3A_142 = arith.constant 1 : i32
      %add3A_143 = arith.addi %add3A_114, %add3A_142 : i32
      %dma_wait3A_144 = arith.constant 0 : i32
      %dma_wait3A_145 = arith.constant 0 : i32
      %dma_wait3A_146 = tpu.memref_slice %arg5[%dma_wait3A_144, %dma_wait3A_145] : memref<917504x128xf32, #tpu.memory_space<hbm>> -> memref<128x128xf32, #tpu.memory_space<hbm>>
      %dma_wait3A_147 = arith.constant 0 : i32
      %dma_wait3A_148 = arith.constant 0 : i32
      %dma_wait3A_149 = tpu.memref_slice %arg5[%dma_wait3A_147, %dma_wait3A_148] : memref<917504x128xf32, #tpu.memory_space<hbm>> -> memref<128x128xf32, #tpu.memory_space<hbm>>
      tpu.wait_dma2 semaphore(%arg17 : memref<!tpu.dma_semaphore, #tpu.memory_space<semaphore_mem>>) src(%arg9 : memref<128x128xf32, #tpu.memory_space<vmem>>) dst(%dma_wait3A_149 : memref<128x128xf32, #tpu.memory_space<hbm>>)
      %dma_start3A_150 = arith.constant 0 : i32
      %dma_start3A_151 = tpu.memref_slice %arg6[%add3A_143, %dma_start3A_150] : memref<200x128xi32, #tpu.memory_space<vmem>> -> memref<1x128xi32, #tpu.memory_space<vmem>>
      %dma_start3A_152 = tpu.memref_squeeze %dma_start3A_151 : memref<1x128xi32, #tpu.memory_space<vmem>> -> memref<128xi32, #tpu.memory_space<vmem>>
      %dma_start3A_153 = arith.constant 0 : i32
      %dma_start3A_154 = arith.constant 0 : i32
      %dma_start3A_155 = tpu.memref_slice %arg4[%dma_start3A_153, %dma_start3A_154] : memref<1000000x128xf32, #tpu.memory_space<hbm>> -> memref<1000000x128xf32, #tpu.memory_space<hbm>>
      tpu.enqueue_indirect_dma source(%dma_start3A_155 : memref<1000000x128xf32, #tpu.memory_space<hbm>>) target(%arg9 : memref<128x128xf32, #tpu.memory_space<vmem>>) offsets(%dma_start3A_152 : memref<128xi32, #tpu.memory_space<vmem>>) semaphore(%arg13 : memref<!tpu.dma_semaphore, #tpu.memory_space<semaphore_mem>>)
      %dma_wait3A_156 = arith.constant 0 : i32
      %dma_wait3A_157 = arith.constant 0 : i32
      %dma_wait3A_158 = tpu.memref_slice %arg4[%dma_wait3A_156, %dma_wait3A_157] : memref<1000000x128xf32, #tpu.memory_space<hbm>> -> memref<128x128xf32, #tpu.memory_space<hbm>>
      %dma_wait3A_159 = arith.constant 0 : i32
      %dma_wait3A_160 = arith.constant 0 : i32
      %dma_wait3A_161 = tpu.memref_slice %arg4[%dma_wait3A_159, %dma_wait3A_160] : memref<1000000x128xf32, #tpu.memory_space<hbm>> -> memref<128x128xf32, #tpu.memory_space<hbm>>
      tpu.wait_dma2 semaphore(%arg14 : memref<!tpu.dma_semaphore, #tpu.memory_space<semaphore_mem>>) src(%dma_wait3A_161 : memref<128x128xf32, #tpu.memory_space<hbm>>) dst(%arg10 : memref<128x128xf32, #tpu.memory_space<vmem>>)
      %sub3A_162 = arith.constant 3 : i32
      %sub3A_163 = arith.subi %add3A_143, %sub3A_162 : i32
      %dma_start3A_164 = arith.constant 0 : i32
      %dma_start3A_165 = tpu.memref_slice %arg7[%sub3A_163, %dma_start3A_164] : memref<200x128xi32, #tpu.memory_space<vmem>> -> memref<1x128xi32, #tpu.memory_space<vmem>>
      %dma_start3A_166 = tpu.memref_squeeze %dma_start3A_165 : memref<1x128xi32, #tpu.memory_space<vmem>> -> memref<128xi32, #tpu.memory_space<vmem>>
      %dma_start3A_167 = arith.constant 0 : i32
      %dma_start3A_168 = arith.constant 0 : i32
      %dma_start3A_169 = tpu.memref_slice %arg5[%dma_start3A_167, %dma_start3A_168] : memref<917504x128xf32, #tpu.memory_space<hbm>> -> memref<917504x128xf32, #tpu.memory_space<hbm>>
      tpu.enqueue_indirect_dma source(%arg10 : memref<128x128xf32, #tpu.memory_space<vmem>>) target(%dma_start3A_169 : memref<917504x128xf32, #tpu.memory_space<hbm>>) offsets(%dma_start3A_166 : memref<128xi32, #tpu.memory_space<vmem>>) semaphore(%arg18 : memref<!tpu.dma_semaphore, #tpu.memory_space<semaphore_mem>>)
      %add3A_170 = arith.constant 2 : i32
      %add3A_171 = arith.addi %add3A_114, %add3A_170 : i32
      %dma_wait3A_172 = arith.constant 0 : i32
      %dma_wait3A_173 = arith.constant 0 : i32
      %dma_wait3A_174 = tpu.memref_slice %arg5[%dma_wait3A_172, %dma_wait3A_173] : memref<917504x128xf32, #tpu.memory_space<hbm>> -> memref<128x128xf32, #tpu.memory_space<hbm>>
      %dma_wait3A_175 = arith.constant 0 : i32
      %dma_wait3A_176 = arith.constant 0 : i32
      %dma_wait3A_177 = tpu.memref_slice %arg5[%dma_wait3A_175, %dma_wait3A_176] : memref<917504x128xf32, #tpu.memory_space<hbm>> -> memref<128x128xf32, #tpu.memory_space<hbm>>
      tpu.wait_dma2 semaphore(%arg18 : memref<!tpu.dma_semaphore, #tpu.memory_space<semaphore_mem>>) src(%arg10 : memref<128x128xf32, #tpu.memory_space<vmem>>) dst(%dma_wait3A_177 : memref<128x128xf32, #tpu.memory_space<hbm>>)
      %dma_start3A_178 = arith.constant 0 : i32
      %dma_start3A_179 = tpu.memref_slice %arg6[%add3A_171, %dma_start3A_178] : memref<200x128xi32, #tpu.memory_space<vmem>> -> memref<1x128xi32, #tpu.memory_space<vmem>>
      %dma_start3A_180 = tpu.memref_squeeze %dma_start3A_179 : memref<1x128xi32, #tpu.memory_space<vmem>> -> memref<128xi32, #tpu.memory_space<vmem>>
      %dma_start3A_181 = arith.constant 0 : i32
      %dma_start3A_182 = arith.constant 0 : i32
      %dma_start3A_183 = tpu.memref_slice %arg4[%dma_start3A_181, %dma_start3A_182] : memref<1000000x128xf32, #tpu.memory_space<hbm>> -> memref<1000000x128xf32, #tpu.memory_space<hbm>>
      tpu.enqueue_indirect_dma source(%dma_start3A_183 : memref<1000000x128xf32, #tpu.memory_space<hbm>>) target(%arg10 : memref<128x128xf32, #tpu.memory_space<vmem>>) offsets(%dma_start3A_180 : memref<128xi32, #tpu.memory_space<vmem>>) semaphore(%arg14 : memref<!tpu.dma_semaphore, #tpu.memory_space<semaphore_mem>>)
      %dma_wait3A_184 = arith.constant 0 : i32
      %dma_wait3A_185 = arith.constant 0 : i32
      %dma_wait3A_186 = tpu.memref_slice %arg4[%dma_wait3A_184, %dma_wait3A_185] : memref<1000000x128xf32, #tpu.memory_space<hbm>> -> memref<128x128xf32, #tpu.memory_space<hbm>>
      %dma_wait3A_187 = arith.constant 0 : i32
      %dma_wait3A_188 = arith.constant 0 : i32
      %dma_wait3A_189 = tpu.memref_slice %arg4[%dma_wait3A_187, %dma_wait3A_188] : memref<1000000x128xf32, #tpu.memory_space<hbm>> -> memref<128x128xf32, #tpu.memory_space<hbm>>
      tpu.wait_dma2 semaphore(%arg15 : memref<!tpu.dma_semaphore, #tpu.memory_space<semaphore_mem>>) src(%dma_wait3A_189 : memref<128x128xf32, #tpu.memory_space<hbm>>) dst(%arg11 : memref<128x128xf32, #tpu.memory_space<vmem>>)
      %sub3A_190 = arith.constant 3 : i32
      %sub3A_191 = arith.subi %add3A_171, %sub3A_190 : i32
      %dma_start3A_192 = arith.constant 0 : i32
      %dma_start3A_193 = tpu.memref_slice %arg7[%sub3A_191, %dma_start3A_192] : memref<200x128xi32, #tpu.memory_space<vmem>> -> memref<1x128xi32, #tpu.memory_space<vmem>>
      %dma_start3A_194 = tpu.memref_squeeze %dma_start3A_193 : memref<1x128xi32, #tpu.memory_space<vmem>> -> memref<128xi32, #tpu.memory_space<vmem>>
      %dma_start3A_195 = arith.constant 0 : i32
      %dma_start3A_196 = arith.constant 0 : i32
      %dma_start3A_197 = tpu.memref_slice %arg5[%dma_start3A_195, %dma_start3A_196] : memref<917504x128xf32, #tpu.memory_space<hbm>> -> memref<917504x128xf32, #tpu.memory_space<hbm>>
      tpu.enqueue_indirect_dma source(%arg11 : memref<128x128xf32, #tpu.memory_space<vmem>>) target(%dma_start3A_197 : memref<917504x128xf32, #tpu.memory_space<hbm>>) offsets(%dma_start3A_194 : memref<128xi32, #tpu.memory_space<vmem>>) semaphore(%arg19 : memref<!tpu.dma_semaphore, #tpu.memory_space<semaphore_mem>>)
      %add3A_198 = arith.constant 3 : i32
      %add3A_199 = arith.addi %add3A_114, %add3A_198 : i32
      %dma_wait3A_200 = arith.constant 0 : i32
      %dma_wait3A_201 = arith.constant 0 : i32
      %dma_wait3A_202 = tpu.memref_slice %arg5[%dma_wait3A_200, %dma_wait3A_201] : memref<917504x128xf32, #tpu.memory_space<hbm>> -> memref<128x128xf32, #tpu.memory_space<hbm>>
      %dma_wait3A_203 = arith.constant 0 : i32
      %dma_wait3A_204 = arith.constant 0 : i32
      %dma_wait3A_205 = tpu.memref_slice %arg5[%dma_wait3A_203, %dma_wait3A_204] : memref<917504x128xf32, #tpu.memory_space<hbm>> -> memref<128x128xf32, #tpu.memory_space<hbm>>
      tpu.wait_dma2 semaphore(%arg19 : memref<!tpu.dma_semaphore, #tpu.memory_space<semaphore_mem>>) src(%arg11 : memref<128x128xf32, #tpu.memory_space<vmem>>) dst(%dma_wait3A_205 : memref<128x128xf32, #tpu.memory_space<hbm>>)
      %dma_start3A_206 = arith.constant 0 : i32
      %dma_start3A_207 = tpu.memref_slice %arg6[%add3A_199, %dma_start3A_206] : memref<200x128xi32, #tpu.memory_space<vmem>> -> memref<1x128xi32, #tpu.memory_space<vmem>>
      %dma_start3A_208 = tpu.memref_squeeze %dma_start3A_207 : memref<1x128xi32, #tpu.memory_space<vmem>> -> memref<128xi32, #tpu.memory_space<vmem>>
      %dma_start3A_209 = arith.constant 0 : i32
      %dma_start3A_210 = arith.constant 0 : i32
      %dma_start3A_211 = tpu.memref_slice %arg4[%dma_start3A_209, %dma_start3A_210] : memref<1000000x128xf32, #tpu.memory_space<hbm>> -> memref<1000000x128xf32, #tpu.memory_space<hbm>>
      tpu.enqueue_indirect_dma source(%dma_start3A_211 : memref<1000000x128xf32, #tpu.memory_space<hbm>>) target(%arg11 : memref<128x128xf32, #tpu.memory_space<vmem>>) offsets(%dma_start3A_208 : memref<128xi32, #tpu.memory_space<vmem>>) semaphore(%arg15 : memref<!tpu.dma_semaphore, #tpu.memory_space<semaphore_mem>>)
      %dma_wait3A_212 = arith.constant 0 : i32
      %dma_wait3A_213 = arith.constant 0 : i32
      %dma_wait3A_214 = tpu.memref_slice %arg4[%dma_wait3A_212, %dma_wait3A_213] : memref<1000000x128xf32, #tpu.memory_space<hbm>> -> memref<128x128xf32, #tpu.memory_space<hbm>>
      %dma_wait3A_215 = arith.constant 0 : i32
      %dma_wait3A_216 = arith.constant 0 : i32
      %dma_wait3A_217 = tpu.memref_slice %arg4[%dma_wait3A_215, %dma_wait3A_216] : memref<1000000x128xf32, #tpu.memory_space<hbm>> -> memref<128x128xf32, #tpu.memory_space<hbm>>
      tpu.wait_dma2 semaphore(%arg12 : memref<!tpu.dma_semaphore, #tpu.memory_space<semaphore_mem>>) src(%dma_wait3A_217 : memref<128x128xf32, #tpu.memory_space<hbm>>) dst(%arg8 : memref<128x128xf32, #tpu.memory_space<vmem>>)
      %sub3A_218 = arith.constant 3 : i32
      %sub3A_219 = arith.subi %add3A_199, %sub3A_218 : i32
      %dma_start3A_220 = arith.constant 0 : i32
      %dma_start3A_221 = tpu.memref_slice %arg7[%sub3A_219, %dma_start3A_220] : memref<200x128xi32, #tpu.memory_space<vmem>> -> memref<1x128xi32, #tpu.memory_space<vmem>>
      %dma_start3A_222 = tpu.memref_squeeze %dma_start3A_221 : memref<1x128xi32, #tpu.memory_space<vmem>> -> memref<128xi32, #tpu.memory_space<vmem>>
      %dma_start3A_223 = arith.constant 0 : i32
      %dma_start3A_224 = arith.constant 0 : i32
      %dma_start3A_225 = tpu.memref_slice %arg5[%dma_start3A_223, %dma_start3A_224] : memref<917504x128xf32, #tpu.memory_space<hbm>> -> memref<917504x128xf32, #tpu.memory_space<hbm>>
      tpu.enqueue_indirect_dma source(%arg8 : memref<128x128xf32, #tpu.memory_space<vmem>>) target(%dma_start3A_225 : memref<917504x128xf32, #tpu.memory_space<hbm>>) offsets(%dma_start3A_222 : memref<128xi32, #tpu.memory_space<vmem>>) semaphore(%arg16 : memref<!tpu.dma_semaphore, #tpu.memory_space<semaphore_mem>>)
    }
    %scan3A_46 = arith.constant 49 : i32
    %dma_wait3A_47 = arith.constant 0 : i32
    %dma_wait3A_48 = arith.constant 0 : i32
    %dma_wait3A_49 = tpu.memref_slice %arg4[%dma_wait3A_47, %dma_wait3A_48] : memref<1000000x128xf32, #tpu.memory_space<hbm>> -> memref<128x128xf32, #tpu.memory_space<hbm>>
    %dma_wait3A_50 = arith.constant 0 : i32
    %dma_wait3A_51 = arith.constant 0 : i32
    %dma_wait3A_52 = tpu.memref_slice %arg4[%dma_wait3A_50, %dma_wait3A_51] : memref<1000000x128xf32, #tpu.memory_space<hbm>> -> memref<128x128xf32, #tpu.memory_space<hbm>>
    tpu.wait_dma2 semaphore(%arg13 : memref<!tpu.dma_semaphore, #tpu.memory_space<semaphore_mem>>) src(%dma_wait3A_52 : memref<128x128xf32, #tpu.memory_space<hbm>>) dst(%arg9 : memref<128x128xf32, #tpu.memory_space<vmem>>)
    %dma_start3A_53 = arith.constant 197 : i32
    %dma_start3A_54 = arith.constant 0 : i32
    %dma_start3A_55 = tpu.memref_slice %arg7[%dma_start3A_53, %dma_start3A_54] : memref<200x128xi32, #tpu.memory_space<vmem>> -> memref<1x128xi32, #tpu.memory_space<vmem>>
    %dma_start3A_56 = tpu.memref_squeeze %dma_start3A_55 : memref<1x128xi32, #tpu.memory_space<vmem>> -> memref<128xi32, #tpu.memory_space<vmem>>
    %dma_start3A_57 = arith.constant 0 : i32
    %dma_start3A_58 = arith.constant 0 : i32
    %dma_start3A_59 = tpu.memref_slice %arg5[%dma_start3A_57, %dma_start3A_58] : memref<917504x128xf32, #tpu.memory_space<hbm>> -> memref<917504x128xf32, #tpu.memory_space<hbm>>
    tpu.enqueue_indirect_dma source(%arg9 : memref<128x128xf32, #tpu.memory_space<vmem>>) target(%dma_start3A_59 : memref<917504x128xf32, #tpu.memory_space<hbm>>) offsets(%dma_start3A_56 : memref<128xi32, #tpu.memory_space<vmem>>) semaphore(%arg17 : memref<!tpu.dma_semaphore, #tpu.memory_space<semaphore_mem>>)
    %dma_wait3A_60 = arith.constant 0 : i32
    %dma_wait3A_61 = arith.constant 0 : i32
    %dma_wait3A_62 = tpu.memref_slice %arg4[%dma_wait3A_60, %dma_wait3A_61] : memref<1000000x128xf32, #tpu.memory_space<hbm>> -> memref<128x128xf32, #tpu.memory_space<hbm>>
    %dma_wait3A_63 = arith.constant 0 : i32
    %dma_wait3A_64 = arith.constant 0 : i32
    %dma_wait3A_65 = tpu.memref_slice %arg4[%dma_wait3A_63, %dma_wait3A_64] : memref<1000000x128xf32, #tpu.memory_space<hbm>> -> memref<128x128xf32, #tpu.memory_space<hbm>>
    tpu.wait_dma2 semaphore(%arg14 : memref<!tpu.dma_semaphore, #tpu.memory_space<semaphore_mem>>) src(%dma_wait3A_65 : memref<128x128xf32, #tpu.memory_space<hbm>>) dst(%arg10 : memref<128x128xf32, #tpu.memory_space<vmem>>)
    %dma_start3A_66 = arith.constant 198 : i32
    %dma_start3A_67 = arith.constant 0 : i32
    %dma_start3A_68 = tpu.memref_slice %arg7[%dma_start3A_66, %dma_start3A_67] : memref<200x128xi32, #tpu.memory_space<vmem>> -> memref<1x128xi32, #tpu.memory_space<vmem>>
    %dma_start3A_69 = tpu.memref_squeeze %dma_start3A_68 : memref<1x128xi32, #tpu.memory_space<vmem>> -> memref<128xi32, #tpu.memory_space<vmem>>
    %dma_start3A_70 = arith.constant 0 : i32
    %dma_start3A_71 = arith.constant 0 : i32
    %dma_start3A_72 = tpu.memref_slice %arg5[%dma_start3A_70, %dma_start3A_71] : memref<917504x128xf32, #tpu.memory_space<hbm>> -> memref<917504x128xf32, #tpu.memory_space<hbm>>
    tpu.enqueue_indirect_dma source(%arg10 : memref<128x128xf32, #tpu.memory_space<vmem>>) target(%dma_start3A_72 : memref<917504x128xf32, #tpu.memory_space<hbm>>) offsets(%dma_start3A_69 : memref<128xi32, #tpu.memory_space<vmem>>) semaphore(%arg18 : memref<!tpu.dma_semaphore, #tpu.memory_space<semaphore_mem>>)
    %dma_wait3A_73 = arith.constant 0 : i32
    %dma_wait3A_74 = arith.constant 0 : i32
    %dma_wait3A_75 = tpu.memref_slice %arg4[%dma_wait3A_73, %dma_wait3A_74] : memref<1000000x128xf32, #tpu.memory_space<hbm>> -> memref<128x128xf32, #tpu.memory_space<hbm>>
    %dma_wait3A_76 = arith.constant 0 : i32
    %dma_wait3A_77 = arith.constant 0 : i32
    %dma_wait3A_78 = tpu.memref_slice %arg4[%dma_wait3A_76, %dma_wait3A_77] : memref<1000000x128xf32, #tpu.memory_space<hbm>> -> memref<128x128xf32, #tpu.memory_space<hbm>>
    tpu.wait_dma2 semaphore(%arg15 : memref<!tpu.dma_semaphore, #tpu.memory_space<semaphore_mem>>) src(%dma_wait3A_78 : memref<128x128xf32, #tpu.memory_space<hbm>>) dst(%arg11 : memref<128x128xf32, #tpu.memory_space<vmem>>)
    %dma_start3A_79 = arith.constant 199 : i32
    %dma_start3A_80 = arith.constant 0 : i32
    %dma_start3A_81 = tpu.memref_slice %arg7[%dma_start3A_79, %dma_start3A_80] : memref<200x128xi32, #tpu.memory_space<vmem>> -> memref<1x128xi32, #tpu.memory_space<vmem>>
    %dma_start3A_82 = tpu.memref_squeeze %dma_start3A_81 : memref<1x128xi32, #tpu.memory_space<vmem>> -> memref<128xi32, #tpu.memory_space<vmem>>
    %dma_start3A_83 = arith.constant 0 : i32
    %dma_start3A_84 = arith.constant 0 : i32
    %dma_start3A_85 = tpu.memref_slice %arg5[%dma_start3A_83, %dma_start3A_84] : memref<917504x128xf32, #tpu.memory_space<hbm>> -> memref<917504x128xf32, #tpu.memory_space<hbm>>
    tpu.enqueue_indirect_dma source(%arg11 : memref<128x128xf32, #tpu.memory_space<vmem>>) target(%dma_start3A_85 : memref<917504x128xf32, #tpu.memory_space<hbm>>) offsets(%dma_start3A_82 : memref<128xi32, #tpu.memory_space<vmem>>) semaphore(%arg19 : memref<!tpu.dma_semaphore, #tpu.memory_space<semaphore_mem>>)
    %dma_wait3A_86 = arith.constant 0 : i32
    %dma_wait3A_87 = arith.constant 0 : i32
    %dma_wait3A_88 = tpu.memref_slice %arg5[%dma_wait3A_86, %dma_wait3A_87] : memref<917504x128xf32, #tpu.memory_space<hbm>> -> memref<128x128xf32, #tpu.memory_space<hbm>>
    %dma_wait3A_89 = arith.constant 0 : i32
    %dma_wait3A_90 = arith.constant 0 : i32
    %dma_wait3A_91 = tpu.memref_slice %arg5[%dma_wait3A_89, %dma_wait3A_90] : memref<917504x128xf32, #tpu.memory_space<hbm>> -> memref<128x128xf32, #tpu.memory_space<hbm>>
    tpu.wait_dma2 semaphore(%arg16 : memref<!tpu.dma_semaphore, #tpu.memory_space<semaphore_mem>>) src(%arg8 : memref<128x128xf32, #tpu.memory_space<vmem>>) dst(%dma_wait3A_91 : memref<128x128xf32, #tpu.memory_space<hbm>>)
    %dma_wait3A_92 = arith.constant 0 : i32
    %dma_wait3A_93 = arith.constant 0 : i32
    %dma_wait3A_94 = tpu.memref_slice %arg5[%dma_wait3A_92, %dma_wait3A_93] : memref<917504x128xf32, #tpu.memory_space<hbm>> -> memref<128x128xf32, #tpu.memory_space<hbm>>
    %dma_wait3A_95 = arith.constant 0 : i32
    %dma_wait3A_96 = arith.constant 0 : i32
    %dma_wait3A_97 = tpu.memref_slice %arg5[%dma_wait3A_95, %dma_wait3A_96] : memref<917504x128xf32, #tpu.memory_space<hbm>> -> memref<128x128xf32, #tpu.memory_space<hbm>>
    tpu.wait_dma2 semaphore(%arg17 : memref<!tpu.dma_semaphore, #tpu.memory_space<semaphore_mem>>) src(%arg9 : memref<128x128xf32, #tpu.memory_space<vmem>>) dst(%dma_wait3A_97 : memref<128x128xf32, #tpu.memory_space<hbm>>)
    %dma_wait3A_98 = arith.constant 0 : i32
    %dma_wait3A_99 = arith.constant 0 : i32
    %dma_wait3A_100 = tpu.memref_slice %arg5[%dma_wait3A_98, %dma_wait3A_99] : memref<917504x128xf32, #tpu.memory_space<hbm>> -> memref<128x128xf32, #tpu.memory_space<hbm>>
    %dma_wait3A_101 = arith.constant 0 : i32
    %dma_wait3A_102 = arith.constant 0 : i32
    %dma_wait3A_103 = tpu.memref_slice %arg5[%dma_wait3A_101, %dma_wait3A_102] : memref<917504x128xf32, #tpu.memory_space<hbm>> -> memref<128x128xf32, #tpu.memory_space<hbm>>
    tpu.wait_dma2 semaphore(%arg18 : memref<!tpu.dma_semaphore, #tpu.memory_space<semaphore_mem>>) src(%arg10 : memref<128x128xf32, #tpu.memory_space<vmem>>) dst(%dma_wait3A_103 : memref<128x128xf32, #tpu.memory_space<hbm>>)
    %dma_wait3A_104 = arith.constant 0 : i32
    %dma_wait3A_105 = arith.constant 0 : i32
    %dma_wait3A_106 = tpu.memref_slice %arg5[%dma_wait3A_104, %dma_wait3A_105] : memref<917504x128xf32, #tpu.memory_space<hbm>> -> memref<128x128xf32, #tpu.memory_space<hbm>>
    %dma_wait3A_107 = arith.constant 0 : i32
    %dma_wait3A_108 = arith.constant 0 : i32
    %dma_wait3A_109 = tpu.memref_slice %arg5[%dma_wait3A_107, %dma_wait3A_108] : memref<917504x128xf32, #tpu.memory_space<hbm>> -> memref<128x128xf32, #tpu.memory_space<hbm>>
    tpu.wait_dma2 semaphore(%arg19 : memref<!tpu.dma_semaphore, #tpu.memory_space<semaphore_mem>>) src(%arg11 : memref<128x128xf32, #tpu.memory_space<vmem>>) dst(%dma_wait3A_109 : memref<128x128xf32, #tpu.memory_space<hbm>>)
    return
  }
}

</mosaic_0001>

<sc_bundles>
// kernel: kernel.3.cloned.1.call-start
scs
__scs_entry_jumppad:
0x0: {  	(pc) =	sbr.rel $0x88, $3  }
0x1: {  	(tag) =	ssettag $0x0;
	lr =	simm.s32 $0x1  }
0x2: {  	[smem:$0x3F9F] =	sst lr;
	_ =	strace $0xD0000000  }
0x3: {  	_ = 	snop  }
0x4: {  	_ = 	snop  }
0x5: {  	_ = 	snop  }
0x6: {  	_ = 	snop  }
0x7: {  	_ = 	snop  }
__scs_overlays_trampoline_lowered:
0x8: {  	[smem:$0x3FAE] =	sst s0  }
0x9: {  	[smem:$0x3FAF] =	sst s1  }
0xa: {  	[smem:$0x3FB0] =	sst s2  }
0xb: {  	[smem:$0x3FB1] =	sst s3  }
0xc: {  	[smem:$0x3FB2] =	sst s4  }
0xd: {  	[smem:$0x3FB3] =	sst s5  }
0xe: {  	[smem:$0x3FB4] =	sst s6  }
0xf: {  	[smem:$0x3FB5] =	sst s7  }
0x10: {  	[smem:$0x3FB6] =	sst s8  }
0x11: {  	[smem:$0x3FB7] =	sst s9;
	s0 =	simm.s32 @!p0 $0x0  }
0x12: {  	s1 =	sld [smem:$0x3F9D];
	s0 =	simm.s32 @p0 $0x1  }
0x13: {  	[smem:$0x3FB8] =	sst s0;
	s0 =	simm.s32 @!p1 $0x0  }
0x14: {  	s2 =	sld [smem:$0x3F9C];
	s0 =	simm.s32 @p1 $0x1  }
0x15: {  	[smem:$0x3FB9] =	sst s0;
	s0 =	simm.s32 @!p2 $0x0  }
0x16: {  	s3 =	sld [smem:$0x3FDB];
	s0 =	simm.s32 @p2 $0x1  }
0x17: {  	s4 =	simm.s32 $0x1BF5;
	[smem:$0x3FBB] =	sst s0  }
0x18: {  	s0 =	sld [smem:$0x3F9E];
	_ =	swait.ge [sflag:s4], $0x0  }
0x19: {  	s7 =	sld [smem:$0x3F9F]  }
0x1a: {  	s8 =	sadd.s32 $0xFFFFE003, lr  }
0x1b: {  	s9 =	sadd.s32 $0xFFFFFEF7, lr;
	s5 =	simm.s32 $0xFFFFFFFF;
	p2 =	slt.u32 s8, $0xFFFFF086  }
0x1c: {  	p1 =	slt.u32 s9, $0xF7A;
	s5 =	simm.s32 @!p2 $0x0  }
0x1d: {  	s5 =	simm.s32 @p1 $0x1;
	p0 =	seq.s32 s7, s2  }
0x1e: {  	s7 =	smul.u32 @!p0 $0xF7A, s2;
	p2 =	seq.s32 @!p0 s5, $0x0  }
0x1f: {  	s9 =	smul.u32 $0xF7A, s1;
	s8 =	simm.s32 @!p0 $0x1BF5;
	p2 =	por !p2, p0  }
0x20: {  	[sflag:s8] =	ssyncset.s32 @!p0 $0xFFFFF086;
	s6 =	sadd.s32 @!p0 s3, s7;
	s7 =	simm.s32 @!p0 $0x108  }
0x21: {  	s3 =	sadd.s32 s3, s9;
	s6 =	sadd.s32 @!p0 $0x88, s6;
	s7 =	simm.s32 @p2 $0x1082  }
0x22: {  	[simem:s7], [sflag:s8] =	dma.local @!p0 [hbm:s6], $0xF7A  }
0x23: {  	s9 =	sor.u32 $0xD0000000, s2;
	s6 =	simm.s32 $0x108;
	_ =	swait.ge @!p0 [sflag:s8], $0x0  }
0x24: {  	s3 =	sadd.s32 $0x88, s3;
	s6 =	simm.s32 @!p1 $0x1082;
	[sflag:s4] =	ssyncset.s32 $0xFFFFF086  }
0x25: {  	[simem:s6], [sflag:s4] =	dma.local [hbm:s3], $0xF7A  }
0x26: {  	[smem:$0x3F9F] =	sst s1;
	(tag) =	ssettag s2;
	_ =	strace s9  }
0x27: {  	s1 =	sld [smem:$0x3FAF]  }
0x28: {  	s2 =	sld [smem:$0x3FB0]  }
0x29: {  	s4 =	sld [smem:$0x3FB2]  }
0x2a: {  	p0 =	seq.s32 s5, $0x0;
	s5 =	sld [smem:$0x3FB3]  }
0x2b: {  	s6 =	sld [smem:$0x3FB4]  }
0x2c: {  	s7 =	sld [smem:$0x3FB5]  }
0x2d: {  	s3 =	simm.s32 $0x108;
	s8 =	sld [smem:$0x3FB6]  }
0x2e: {  	s3 =	simm.s32 @!p0 $0x1082;
	s9 =	sld [smem:$0x3FB7]  }
0x2f: {  	lr =	sadd.s32 s0, s3;
	s0 =	sld [smem:$0x3FAE]  }
0x30: {  	s3 =	sld [smem:$0x3FB1]  }
0x31: {  	[smem:$0x3FBA] =	sst s10  }
0x32: {  	s10 =	sld [smem:$0x3FB8];
	_ =	sdelay $0x3  }
0x33: {  	p0 =	seq.s32 s10, $0x1;
	s10 =	sld [smem:$0x3FBA];
	_ =	sdelay $0x3  }
0x34: {  	[smem:$0x3FBA] =	sst s10  }
0x35: {  	s10 =	sld [smem:$0x3FB9];
	_ =	sdelay $0x3  }
0x36: {  	p1 =	seq.s32 s10, $0x1;
	s10 =	sld [smem:$0x3FBA];
	_ =	sdelay $0x3  }
0x37: {  	[smem:$0x3FBA] =	sst s10  }
0x38: {  	s10 =	sld [smem:$0x3FBB]  }
0x39: {  	_ = 	snop;
	(pc) =	sbr.ind lr, $3  }
0x3a: {  	_ = 	snop  }
0x3b: {  	_ = 	snop  }
0x3c: {  	p2 =	seq.s32 s10, $0x1;
	s10 =	sld [smem:$0x3FBA]  }
0x3d: {  	_ =	shalt  }
0x3e: {  	_ =	shalt  }
0x3f: {  	_ =	shalt  }
0x40: {  	_ =	shalt  }
0x41: {  	_ =	shalt  }
0x42: {  	_ =	shalt  }
0x43: {  	_ =	shalt  }
0x44: {  	_ =	shalt  }
0x45: {  	_ =	shalt  }
0x46: {  	_ =	shalt  }
0x47: {  	_ =	shalt  }
0x48: {  	_ =	shalt  }
0x49: {  	_ =	shalt  }
0x4a: {  	_ =	shalt  }
0x4b: {  	_ =	shalt  }
0x4c: {  	_ =	shalt  }
0x4d: {  	_ =	shalt  }
0x4e: {  	_ =	shalt  }
0x4f: {  	_ =	shalt  }
0x50: {  	_ =	shalt  }
0x51: {  	_ =	shalt  }
0x52: {  	_ =	shalt  }
0x53: {  	_ =	shalt  }
0x54: {  	_ =	shalt  }
0x55: {  	_ =	shalt  }
0x56: {  	_ =	shalt  }
0x57: {  	_ =	shalt  }
0x58: {  	_ =	shalt  }
0x59: {  	_ =	shalt  }
0x5a: {  	_ =	shalt  }
0x5b: {  	_ =	shalt  }
0x5c: {  	_ =	shalt  }
0x5d: {  	_ =	shalt  }
0x5e: {  	_ =	shalt  }
0x5f: {  	_ =	shalt  }
0x60: {  	_ =	shalt  }
0x61: {  	_ =	shalt  }
0x62: {  	_ =	shalt  }
0x63: {  	_ =	shalt  }
0x64: {  	_ =	shalt  }
0x65: {  	_ =	shalt  }
0x66: {  	_ =	shalt  }
0x67: {  	_ =	shalt  }
0x68: {  	_ =	shalt  }
0x69: {  	_ =	shalt  }
0x6a: {  	_ =	shalt  }
0x6b: {  	_ =	shalt  }
0x6c: {  	_ =	shalt  }
0x6d: {  	_ =	shalt  }
0x6e: {  	_ =	shalt  }
0x6f: {  	_ =	shalt  }
0x70: {  	_ =	shalt  }
0x71: {  	_ =	shalt  }
0x72: {  	_ =	shalt  }
0x73: {  	_ =	shalt  }
0x74: {  	_ =	shalt  }
0x75: {  	_ =	shalt  }
0x76: {  	_ =	shalt  }
0x77: {  	_ =	shalt  }
0x78: {  	_ =	shalt  }
0x79: {  	_ =	shalt  }
0x7a: {  	_ =	shalt  }
0x7b: {  	_ =	shalt  }
0x7c: {  	_ =	shalt  }
0x7d: {  	_ =	shalt  }
0x7e: {  	_ =	shalt  }
0x7f: {  	_ =	shalt  }
0x80: {  	_ =	shalt  }
0x81: {  	_ =	shalt  }
0x82: {  	_ =	shalt  }
0x83: {  	_ =	shalt  }
0x84: {  	_ =	shalt  }
0x85: {  	_ =	shalt  }
0x86: {  	_ =	shalt  }
0x87: {  	_ =	shalt  }
.Lfunc_end0:
.L_simem_size_0:
called_computation_lowered:
.L_overlay_start_0:
0x88: {  	s2 =	sld [smem:$0x3FD9]  }
0x89: {  	s3 =	sld [smem:$0x3FFE];
	_ =	sdelay $0x1  }
0x8a: {  	s1 =	srdreg.scid  }
0x8b: {  	s0 =	sand.u32 $0x1, s1  }
0x8c: {  	s17 =	sshll.u32 s0, $0xA;
	s2 =	sadd.s32 s3, s2  }
0x8d: {  	s2 =	sadd.s32 s2, s17  }
0x8e: {  	[smem:$0x3FC6] =	sst s2  }
0x8f: {  	_ = 	snop  }
0x90: {  	s2 =	sld [smem:$0x3FD0];
	(tm) =	ssettm $0x1  }
0x91: {  	s18 =	sld [smem:$0x3FFB];
	_ =	sdelay $0x3  }
0x92: {  	_ =	strace s18  }
0x93: {  	s3 =	sld [smem:$0x3FFC];
	_ =	sdelay $0x3  }
0x94: {  	_ =	strace s3  }
0x95: {  	s3 =	sld [smem:$0x3FFD];
	_ =	sdelay $0x3  }
0x96: {  	_ =	strace s3  }
0x97: {  	_ =	strace $0x8FFFFFFF  }
0x98: {  	s19 =	sld [smem:$0x3FDB];
	_ =	sdelay $0x1  }
0x99: {  	s4 =	simm.s32 $_scs_section_size  }
0x9a: {  	s5 =	simm.s32 $_size__tile_overlayer_lowered;
	s6 =	simm.s32 $_tile_overlayer_lowered  }
0x9b: {  	s22 =	simm.s32 $0x1BFF;
	s21 =	sshll.u32 s6, $0x1;
	s3 =	sadd.s32 s4, s19  }
0x9c: {  	s7 =	simm.s32 $0x0;
	s20 =	sshll.u32 s5, $0x1;
	s5 =	sadd.s32 s21, s3  }
0x9d: {  	[timem:s7], [sflag:s22] =	dma.local [hbm:s5], s20  }
0x9e: {  	_ =	swait.ge [sflag:s22], s20  }
0x9f: {  	s4 =	ssub.s32 $0x0, s20;
	[sflag:s22] =	ssyncset.done $0x0  }
0xa0: {  	[sflag:s22] =	ssyncadd.s32 s4;
	_ =	sdelay $0x1  }
0xa1: {  	s23 =	simm.s32 $0x1B8B  }
0xa2: {  	_ =	swait.ge [sflag:s23], $0x1  }
0xa3: {  	[sflag:s23] =	ssyncset.done $0x0  }
0xa4: {  	s25 =	simm.s32 $0x1B8E;
	s24 =	sld [smem:$0x3FFE];
	[sflag:s23] =	ssyncadd.s32 $0xFFFFFFFF  }
0xa5: {  	s26 =	simm.s32 $execute0_lowered;
	[smem:$0x3FD2] =	sst s25  }
0xa6: {  	s5 =	sshll.u32 s26, $0x1;
	_ =	strace $0x80000046;
	[dreg:$0x1] =	wrdreg $0xFFFFFFFF  }
0xa7: {  	s28 =	simm.s32 $_size_execute0_lowered;
	s3 =	sadd.s32 s3, s5;
	[dreg:$0x0] =	wrdreg $0x0  }
0xa8: {  	s5 =	sshll.u32 s28, $0x1;
	[dreg:$0x2] =	wrdreg s3  }
0xa9: {  	[dreg:$0x3] =	wrdreg s5  }
0xaa: {  	[dreg:$0x4] =	wrdreg $0xC0  }
0xab: {  	_ =	task [dreg:s7], $0x5FFFF  }
0xac: {  	[dreg:$0x1] =	wrdreg $0xFFFFFFFF  }
0xad: {  	[dreg:$0x0] =	wrdreg $0x60  }
0xae: {  	[dreg:$0x2] =	wrdreg s24  }
0xaf: {  	[dreg:$0x3] =	wrdreg s2  }
0xb0: {  	[dreg:$0x4] =	wrdreg $0x9  }
0xb1: {  	_ =	task.clear_ibuf [dreg:s7], $0x5FFFF;
	_ =	strace $0x90000046  }
0xb2: {  	s29 =	simm.s32 $0x9;
	_ =	strace $0x80000048  }
0xb3: {  	_ =	swait.ge [sflag:s29], $0x1  }
0xb4: {  	[sflag:s29] =	ssyncadd.s32 $0xFFFFFFFF  }
0xb5: {  	_ =	strace $0x90000048  }
0xb6: {  	_ =	sfence  }
0xb7: {  	s30 =	sld [smem:$0x0];
	_ =	sdelay $0x2  }
0xb8: {  	s31 =	sshll.u32 s1, $0xD;
	s1 =	sshrl.u32 s1, $0x2  }
0xb9: {  	s3 =	sand.u32 $0x4000, s31;
	s1 =	sadd.s32 s1, s30  }
0xba: {  	s0 =	sor.u32 s3, s0;
	s1 =	sshll.u32 s1, $0x11  }
0xbb: {  	s0 =	sor.u32 s1, s0  }
0xbc: {  	s0 =	sadd.s32 $0x8F2B, s0  }
0xbd: {  	[sflag:s0] =	ssyncadd.remote.s32 $0x1  }
0xbe: {  	_ =	sfence.sel $0xFFFF  }
0xbf: {  	[dreg:$0x0] =	wrdreg $0xFFFFFFFF;
	(pc) =	sbr.abs _section_cstart, $3  }
0xc0: {  	[dreg:$0x1] =	wrdreg $0xFFFFFFFF  }
0xc1: {  	_ =	task.clear_ibuf [dreg:s7], $0x2FFFF;
	_ =	strace $0x9FFFFFFF  }
0xc2: {  	(tm) =	ssettm $0x7FFFFFFF  }
0xc3: {  	_ =	shalt  }
tec
execute0_lowered:
.L_overlay_start_1:
0x0: {  	(tag) =	ssettag $0x1  }
0x1: {  	s4 =	rddreg [dreg:$0x0];
	s1 =	srdreg.scid  }
0x2: {  	s0 =	stileid.u32;
	s2 =	rddreg [dreg:$0x1]  }
0x3: {  	s3 =	simm.s32 $0x0;
	s8 =	simm.s32 $0x9;
	s9 =	simm.s32 $0x6400  }
0x4: {  	s10 =	simm.s32 $0x80;
	s11 =	simm.s32 $0xC800;
	s12 =	simm.s32 $0x10800  }
0x5: {  	s13 =	simm.s32 $0x100;
	s14 =	simm.s32 $0x14800;
	s15 =	simm.s32 $0x180  }
0x6: {  	s16 =	simm.s32 $0x18800;
	s17 =	simm.s32 $0x1;
	s18 =	simm.s32 $0x5  }
0x7: {  	s19 =	simm.s32 $0x2;
	s20 =	simm.s32 $0x6;
	s21 =	simm.s32 $0x3  }
0x8: {  	s22 =	simm.s32 $0x7;
	s23 =	simm.s32 $0x4;
	s24 =	simm.s32 $0x8  }
0x9: {  	s25 =	simm.s32 $0xC680;
	s5 =	sand.u32 $0x1, s1;
	s6 =	sshll.u32 s0, $0x1  }
0xa: {  	s26 =	simm.s32 $0xC700;
	s28 =	simm.s32 $0xC780;
	s6 =	sor.u32 s5, s6  }
0xb: {  	[smem:$0x7FF] =	sst s3;
	s5 =	ssub.s32 $0x2, s5;
	s6 =	smul.u32 $0xC80, s6  }
0xc: {  	s29 =	simm.s32 $0x0;
	_ =	strace $0x80000047;
	s7 =	sshrl.u32 s5, $0x1  }
0xd: {  	s7 =	ssub.s32 s5, s7;
	s6 =	sadd.s32 s6, s4;
	s4 =	sadd.s32 $0xF74A00, s4  }
0xe: {  	s7 =	smax.u32 s7, $0x1;
	s5 =	sadd.s32 $0xF5BA00, s6;
	s6 =	sadd.s32 $0x600, s6  }
.LBB2_1:
0xf: {  	[tilespmem:s3], [sflag:$0x9] =	stream.linear.gather [hbm4b:s5+s3], $0x6400, $0x38;
	[tilespmem:$0x1C800] =	vst v63  }
0x10: {  	_ =	swait.ge [sflag:s8], $0x6400  }
0x11: {  	[sflag:s8] =	ssyncset.done $0x0  }
0x12: {  	[sflag:s8] =	ssyncadd.s32 $0xFFFF9C00  }
0x13: {  	[tilespmem:s9], [sflag:$0x9] =	stream.linear.gather [hbm4b:s6+s3], $0x6400, $0x38;
	[tilespmem:$0x1C800] =	vst v63  }
0x14: {  	_ =	swait.ge [sflag:s8], $0x6400  }
0x15: {  	[sflag:s8] =	ssyncset.done $0x0  }
0x16: {  	[sflag:s8] =	ssyncadd.s32 $0xFFFF9C00  }
0x17: {  	[tilespmem:s11], [sflag:$0x1] =	stream.indirect.gather [hbm4b:s4+s10], $0x80, s3, s10, $0xb8;
	[tilespmem:$0x1C800] =	vst v63  }
0x18: {  	_ = 	snop  }
0x19: {  	[tilespmem:s12], [sflag:$0x2] =	stream.indirect.gather [hbm4b:s4+s10], $0x80, s10, s10, $0xb8;
	[tilespmem:$0x1C800] =	vst v63  }
0x1a: {  	_ = 	snop  }
0x1b: {  	[tilespmem:s14], [sflag:$0x3] =	stream.indirect.gather [hbm4b:s4+s10], $0x80, s13, s10, $0xb8;
	[tilespmem:$0x1C800] =	vst v63  }
0x1c: {  	_ = 	snop  }
0x1d: {  	[tilespmem:s16], [sflag:$0x4] =	stream.indirect.gather [hbm4b:s4+s10], $0x80, s15, s10, $0xb8;
	[tilespmem:$0x1C800] =	vst v63  }
0x1e: {  	_ =	swait.ge [sflag:s17], $0x4000  }
0x1f: {  	[sflag:s17] =	ssyncset.done $0x0  }
0x20: {  	[sflag:s17] =	ssyncadd.s32 $0xFFFFC000  }
0x21: {  	[hbm4b:s2+s10] =	stream.indirect.scatter [tilespmem:s11], [sflag:$0x5], $0x80, s9, s10, $0xb8;
	[tilespmem:$0x1C800] =	vst v63  }
0x22: {  	_ =	swait.ge [sflag:s18], $0x4000  }
0x23: {  	[sflag:s18] =	ssyncset.done $0x0  }
0x24: {  	s30 =	simm.s32 $0x200;
	[sflag:s18] =	ssyncadd.s32 $0xFFFFC000  }
0x25: {  	[tilespmem:s11], [sflag:$0x1] =	stream.indirect.gather [hbm4b:s4+s10], $0x80, s30, s10, $0xb8;
	[tilespmem:$0x1C800] =	vst v63  }
0x26: {  	_ =	swait.ge [sflag:s19], $0x4000  }
0x27: {  	[sflag:s19] =	ssyncset.done $0x0  }
0x28: {  	s30 =	simm.s32 $0x6480;
	[sflag:s19] =	ssyncadd.s32 $0xFFFFC000  }
0x29: {  	[hbm4b:s2+s10] =	stream.indirect.scatter [tilespmem:s12], [sflag:$0x6], $0x80, s30, s10, $0xb8;
	[tilespmem:$0x1C800] =	vst v63  }
0x2a: {  	_ =	swait.ge [sflag:s20], $0x4000  }
0x2b: {  	[sflag:s20] =	ssyncset.done $0x0  }
0x2c: {  	s30 =	simm.s32 $0x280;
	[sflag:s20] =	ssyncadd.s32 $0xFFFFC000  }
0x2d: {  	[tilespmem:s12], [sflag:$0x2] =	stream.indirect.gather [hbm4b:s4+s10], $0x80, s30, s10, $0xb8;
	[tilespmem:$0x1C800] =	vst v63  }
0x2e: {  	_ =	swait.ge [sflag:s21], $0x4000  }
0x2f: {  	[sflag:s21] =	ssyncset.done $0x0  }
0x30: {  	s30 =	simm.s32 $0x6500;
	[sflag:s21] =	ssyncadd.s32 $0xFFFFC000  }
0x31: {  	[hbm4b:s2+s10] =	stream.indirect.scatter [tilespmem:s14], [sflag:$0x7], $0x80, s30, s10, $0xb8;
	[tilespmem:$0x1C800] =	vst v63  }
0x32: {  	_ =	swait.ge [sflag:s22], $0x4000  }
0x33: {  	[sflag:s22] =	ssyncset.done $0x0  }
0x34: {  	s30 =	simm.s32 $0x300;
	[sflag:s22] =	ssyncadd.s32 $0xFFFFC000  }
0x35: {  	[tilespmem:s14], [sflag:$0x3] =	stream.indirect.gather [hbm4b:s4+s10], $0x80, s30, s10, $0xb8;
	[tilespmem:$0x1C800] =	vst v63  }
0x36: {  	_ =	swait.ge [sflag:s23], $0x4000  }
0x37: {  	[sflag:s23] =	ssyncset.done $0x0  }
0x38: {  	s30 =	simm.s32 $0x6580;
	[sflag:s23] =	ssyncadd.s32 $0xFFFFC000  }
0x39: {  	[hbm4b:s2+s10] =	stream.indirect.scatter [tilespmem:s16], [sflag:$0x8], $0x80, s30, s10, $0xb8;
	[tilespmem:$0x1C800] =	vst v63  }
0x3a: {  	_ =	swait.ge [sflag:s24], $0x4000  }
0x3b: {  	[sflag:s24] =	ssyncset.done $0x0  }
0x3c: {  	s30 =	simm.s32 $0x380;
	[sflag:s24] =	ssyncadd.s32 $0xFFFFC000  }
0x3d: {  	[tilespmem:s16], [sflag:$0x4] =	stream.indirect.gather [hbm4b:s4+s10], $0x80, s30, s10, $0xb8;
	[tilespmem:$0x1C800] =	vst v63  }
0x3e: {  	_ =	swait.ge [sflag:s17], $0x4000  }
0x3f: {  	[sflag:s17] =	ssyncset.done $0x0  }
0x40: {  	s31 =	simm.s32 $0x6600;
	s30 =	simm.s32 $0x800;
	[sflag:s17] =	ssyncadd.s32 $0xFFFFC000  }
.LBB2_2:
0x41: {  	[hbm4b:s2+s10] =	stream.indirect.scatter [tilespmem:s11], [sflag:$0x5], $0x80, s31, s10, $0xb8;
	[tilespmem:$0x1C800] =	vst v63  }
0x42: {  	s31 =	smov.u32 s30  }
0x43: {  	p0 =	sne.s32 s30, $0x18000;
	s30 =	sadd.s32 $0x800, s30;
	_ =	swait.ge [sflag:s18], $0x4000  }
0x44: {  	s31 =	sshra.s32 s31, $0x2;
	[sflag:s18] =	ssyncset.done $0x0  }
0x45: {  	s1 =	sadd.s32 $0x200, s31;
	[sflag:s18] =	ssyncadd.s32 $0xFFFFC000  }
0x46: {  	[tilespmem:s11], [sflag:$0x1] =	stream.indirect.gather [hbm4b:s4+s10], $0x80, s1, s10, $0xb8;
	[tilespmem:$0x1C800] =	vst v63  }
0x47: {  	_ =	swait.ge [sflag:s19], $0x4000  }
0x48: {  	[sflag:s19] =	ssyncset.done $0x0  }
0x49: {  	s1 =	sadd.s32 $0x6480, s31;
	[sflag:s19] =	ssyncadd.s32 $0xFFFFC000  }
0x4a: {  	[hbm4b:s2+s10] =	stream.indirect.scatter [tilespmem:s12], [sflag:$0x6], $0x80, s1, s10, $0xb8;
	[tilespmem:$0x1C800] =	vst v63  }
0x4b: {  	_ =	swait.ge [sflag:s20], $0x4000  }
0x4c: {  	[sflag:s20] =	ssyncset.done $0x0  }
0x4d: {  	s1 =	sadd.s32 $0x280, s31;
	[sflag:s20] =	ssyncadd.s32 $0xFFFFC000  }
0x4e: {  	[tilespmem:s12], [sflag:$0x2] =	stream.indirect.gather [hbm4b:s4+s10], $0x80, s1, s10, $0xb8;
	[tilespmem:$0x1C800] =	vst v63  }
0x4f: {  	_ =	swait.ge [sflag:s21], $0x4000  }
0x50: {  	[sflag:s21] =	ssyncset.done $0x0  }
0x51: {  	s1 =	sadd.s32 $0x6500, s31;
	[sflag:s21] =	ssyncadd.s32 $0xFFFFC000  }
0x52: {  	[hbm4b:s2+s10] =	stream.indirect.scatter [tilespmem:s14], [sflag:$0x7], $0x80, s1, s10, $0xb8;
	[tilespmem:$0x1C800] =	vst v63  }
0x53: {  	_ =	swait.ge [sflag:s22], $0x4000  }
0x54: {  	[sflag:s22] =	ssyncset.done $0x0  }
0x55: {  	s1 =	sadd.s32 $0x300, s31;
	[sflag:s22] =	ssyncadd.s32 $0xFFFFC000  }
0x56: {  	[tilespmem:s14], [sflag:$0x3] =	stream.indirect.gather [hbm4b:s4+s10], $0x80, s1, s10, $0xb8;
	[tilespmem:$0x1C800] =	vst v63  }
0x57: {  	_ =	swait.ge [sflag:s23], $0x4000  }
0x58: {  	[sflag:s23] =	ssyncset.done $0x0  }
0x59: {  	s1 =	sadd.s32 $0x6580, s31;
	[sflag:s23] =	ssyncadd.s32 $0xFFFFC000  }
0x5a: {  	[hbm4b:s2+s10] =	stream.indirect.scatter [tilespmem:s16], [sflag:$0x8], $0x80, s1, s10, $0xb8;
	[tilespmem:$0x1C800] =	vst v63  }
0x5b: {  	_ =	swait.ge [sflag:s24], $0x4000  }
0x5c: {  	[sflag:s24] =	ssyncset.done $0x0  }
.Ltmp0:
0x5d: {  	s1 =	sadd.s32 $0x380, s31;
	[sflag:s24] =	ssyncadd.s32 $0xFFFFC000;
	(pc) =	sbr.rel @p0 .LBB2_2-.Ltmp0, $4  }
0x5e: {  	[tilespmem:s16], [sflag:$0x4] =	stream.indirect.gather [hbm4b:s4+s10], $0x80, s1, s10, $0xb8;
	[tilespmem:$0x1C800] =	vst v63  }
0x5f: {  	_ =	swait.ge [sflag:s17], $0x4000  }
0x60: {  	[sflag:s17] =	ssyncset.done $0x0  }
0x61: {  	s31 =	sadd.s32 $0x6600, s31;
	[sflag:s17] =	ssyncadd.s32 $0xFFFFC000  }
0x62: {  	[hbm4b:s2+s10] =	stream.indirect.scatter [tilespmem:s11], [sflag:$0x5], $0x80, s31, s10, $0xb8;
	[tilespmem:$0x1C800] =	vst v63  }
0x63: {  	_ =	swait.ge [sflag:s19], $0x4000  }
0x64: {  	[sflag:s19] =	ssyncset.done $0x0  }
0x65: {  	[sflag:s19] =	ssyncadd.s32 $0xFFFFC000  }
0x66: {  	[hbm4b:s2+s10] =	stream.indirect.scatter [tilespmem:s12], [sflag:$0x6], $0x80, s25, s10, $0xb8;
	[tilespmem:$0x1C800] =	vst v63  }
0x67: {  	_ =	swait.ge [sflag:s21], $0x4000  }
0x68: {  	[sflag:s21] =	ssyncset.done $0x0  }
0x69: {  	[sflag:s21] =	ssyncadd.s32 $0xFFFFC000  }
0x6a: {  	[hbm4b:s2+s10] =	stream.indirect.scatter [tilespmem:s14], [sflag:$0x7], $0x80, s26, s10, $0xb8;
	[tilespmem:$0x1C800] =	vst v63  }
0x6b: {  	_ =	swait.ge [sflag:s23], $0x4000  }
0x6c: {  	[sflag:s23] =	ssyncset.done $0x0  }
0x6d: {  	[sflag:s23] =	ssyncadd.s32 $0xFFFFC000  }
0x6e: {  	[hbm4b:s2+s10] =	stream.indirect.scatter [tilespmem:s16], [sflag:$0x8], $0x80, s28, s10, $0xb8;
	[tilespmem:$0x1C800] =	vst v63  }
0x6f: {  	_ =	swait.ge [sflag:s18], $0x4000  }
0x70: {  	[sflag:s18] =	ssyncset.done $0x0  }
0x71: {  	[sflag:s18] =	ssyncadd.s32 $0xFFFFC000  }
0x72: {  	_ =	swait.ge [sflag:s20], $0x4000  }
0x73: {  	[sflag:s20] =	ssyncset.done $0x0  }
0x74: {  	s29 =	sadd.s32 $0x1, s29;
	[sflag:s20] =	ssyncadd.s32 $0xFFFFC000  }
0x75: {  	p0 =	sne.s32 s29, s7;
	_ =	swait.ge [sflag:s22], $0x4000  }
.Ltmp1:
0x76: {  	[sflag:s22] =	ssyncset.done $0x0;
	(pc) =	sbr.rel @p0 .LBB2_1-.Ltmp1, $4  }
0x77: {  	[sflag:s22] =	ssyncadd.s32 $0xFFFFC000  }
0x78: {  	_ =	swait.ge [sflag:s24], $0x4000  }
0x79: {  	[sflag:s24] =	ssyncset.done $0x0  }
0x7a: {  	[sflag:s24] =	ssyncadd.s32 $0xFFFFC000  }
0x7b: {  	_ =	sfence.sel $0x180000  }
0x7c: {  	[bflag:$0x0] =	sbarrier.arrive $0xFFFF  }
0x7d: {  	_ =	strace $0x90000047  }
0x7e: {  	[bflag:$0x2] =	sbarrier.arrive $0xFFFF  }
0x7f: {  	p0 =	sne.s32 s0, $0x0;
	s0 =	rddreg [dreg:$0x2]  }
0x80: {  	s0 =	sadd.s32 @!p0 $0x100000, s0  }
0x81: {  	[sflag:s0] =	ssyncadd.tile.s32 @!p0 $0x1;
	_ =	shalt  }
.Lfunc_end2:
_tile_overlayer_lowered:
.L_overlay_start_2:
0x82: {  	(tag) =	ssettag $0x2  }
0x83: {  	s0 =	rddreg [dreg:$0x0];
	s2 =	stileid.u32  }
0x84: {  	s1 =	rddreg [dreg:$0x1];
	p0 =	sne.s32 s2, $0x0  }
0x85: {  	s3 =	rddreg [dreg:$0x2];
	[bflag:$0x3] =	sbarrier.arrive $0xFFFF;
	s2 =	simm.s32 @!p0 $0x1C09  }
0x86: {  	[timem:s3], [sflag:s2] =	dma.local @!p0 [hbm:s0], s1  }
0x87: {  	s0 =	simm.s32 @!p0 $0x9  }
0x88: {  	_ =	swait.ge @!p0 [sflag:s0], s1  }
0x89: {  	s1 =	ssub.s32 @!p0 $0x0, s1;
	[sflag:s0] =	ssyncset.done @!p0 $0x0  }
0x8a: {  	[sflag:s0] =	ssyncadd.s32 @!p0 s1  }
0x8b: {  	[bflag:$0x3] =	sbarrier.arrive $0xFFFF  }
0x8c: {  	_ =	shalt  }

</sc_bundles>
